<compile_context>
chip_gen: v7x
topology: tpu7x:2x2x1
jax: 0.10.2.dev20260603
libtpu: 0.0.44.dev20260713+nightly
codegen_flags: <defaults>
</compile_context>

<pallas_src>
import jax
import jax.numpy as jnp
from jax import lax
from jax.experimental import pallas as pl
from jax.experimental.pallas import tpu as pltpu
from jax.experimental.pallas import tpu_sc as plsc

_B, _L, _H = 16, 2048, 1024


def _last_step_body(payload_hbm, seq_hbm, out_hbm, seq_s, sem):
    pltpu.sync_copy(seq_hbm, seq_s)
    for b in range(_B):
        t = seq_s[b] - 1
        pltpu.make_async_copy(
            payload_hbm.at[b].at[pl.ds(t, 1)], out_hbm.at[pl.ds(b, 1)], sem
        ).start()
    pltpu.make_async_copy(payload_hbm.at[0], out_hbm, sem).wait()


_mesh = plsc.ScalarSubcoreMesh(axis_name="c", num_cores=1)

_last_step = pl.kernel(
    _last_step_body,
    out_type=jax.ShapeDtypeStruct((_B, _H), jnp.float32),
    mesh=_mesh,
    scratch_types=[
        pltpu.SMEM((_B,), jnp.int32),
        pltpu.SemaphoreType.DMA,
    ],
)


@jax.jit
def kernel(payload, seq_lens):
    return _last_step(payload, seq_lens.astype(jnp.int32))

# --- scband reference (transcript-rebuilt; emitter-appended) ---
"""Pipeline reference for scband-last-step-encoder-8693013807538 (READ-ONLY COPY).

The authoritative reference and input builder live on the scoring server;
editing this copy changes nothing except your own understanding.
"""

import jax, jax.numpy as jnp
import numpy as np


def setup_inputs(seed: int = 0) -> dict:
    key = jax.random.key(seed)
    k1, k2 = jax.random.split(key)
    B, L, H = 16, 2048, 1024
    payload = jax.random.normal(k1, (B, L, H), dtype=jnp.float32)
    # seq_lens in [1, L] so that (l - 1) is a valid non-negative index
    seq_lens = jax.random.randint(k2, (B,), 1, L + 1)
    return {"payload": payload, "seq_lens": seq_lens}


def reference(payload, seq_lens):
    # h = x.payload[range(B), [l - 1 for l in seq_lens]]
    B = payload.shape[0]
    idx = seq_lens - 1
    h = payload[jnp.arange(B), idx]
    return h

if __name__ == "__main__":
    import jax
    _d = setup_inputs()
    print(jax.jit(kernel)(*tuple(_d.values())))

</pallas_src>

<mosaic_0001>
#map = affine_map<(d0) -> (0, 0, 0)>
#map1 = affine_map<(d0) -> (0)>
#map2 = affine_map<(d0) -> (0, 0)>
module attributes {stable_mosaic.version = 14 : i64} {
  func.func @_last_step_body(%arg0: i32, %arg1: memref<16x2048x1024xf32, #tpu.memory_space<hbm>>, %arg2: memref<16xi32, #tpu.memory_space<hbm>>, %arg3: memref<16x1024xf32, #tpu.memory_space<hbm>>, %arg4: memref<16xi32, #tpu.memory_space<smem>>, %arg5: memref<!tpu.dma_semaphore, #tpu.memory_space<semaphore_mem>>) attributes {dimension_semantics = [#tpu.dimension_semantics<core_parallel>], iteration_bounds = array<i64: 1>, scalar_prefetch = 0 : i64, scratch_operands = 2 : i64, tpu.core_type = #tpu.core_type<sc_scalar_subcore>, window_params = [{transform_indices = #map}, {transform_indices = #map1}, {transform_indices = #map2}]} {
    "tpu.region"() ({
      %run_scoped3A = tpu.sem_alloc : memref<!tpu.dma_semaphore, #tpu.memory_space<semaphore_mem>>
      tpu.enqueue_dma source(%arg2 : memref<16xi32, #tpu.memory_space<hbm>>) target(%arg4 : memref<16xi32, #tpu.memory_space<smem>>) target_semaphore(%run_scoped3A : memref<!tpu.dma_semaphore, #tpu.memory_space<semaphore_mem>>)
      tpu.wait_dma2 semaphore(%run_scoped3A : memref<!tpu.dma_semaphore, #tpu.memory_space<semaphore_mem>>) src(%arg2 : memref<16xi32, #tpu.memory_space<hbm>>) dst(%arg4 : memref<16xi32, #tpu.memory_space<smem>>)
      tpu.yield
    }) : () -> ()
    %get3A = arith.constant 0 : i32
    %get3A_0 = arith.index_cast %get3A : i32 to index
    %get3A_1 = memref.load %arg4[%get3A_0] : memref<16xi32, #tpu.memory_space<smem>>
    %sub3A = arith.constant 1 : i32
    %sub3A_2 = arith.subi %get3A_1, %sub3A : i32
    %dma_start3A = arith.constant 0 : i32
    %dma_start3A_3 = arith.constant 0 : i32
    %dma_start3A_4 = arith.constant 0 : i32
    %dma_start3A_5 = tpu.memref_slice %arg3[%dma_start3A_3, %dma_start3A_4] : memref<16x1024xf32, #tpu.memory_space<hbm>> -> memref<1x1024xf32, #tpu.memory_space<hbm>>
    %dma_start3A_6 = arith.constant 0 : i32
    %dma_start3A_7 = arith.constant 0 : i32
    %dma_start3A_8 = tpu.memref_slice %arg1[%dma_start3A, %dma_start3A_6, %dma_start3A_7] : memref<16x2048x1024xf32, #tpu.memory_space<hbm>> -> memref<1x2048x1024xf32, #tpu.memory_space<hbm>>
    %dma_start3A_9 = tpu.memref_squeeze %dma_start3A_8 : memref<1x2048x1024xf32, #tpu.memory_space<hbm>> -> memref<2048x1024xf32, #tpu.memory_space<hbm>>
    %dma_start3A_10 = arith.constant 0 : i32
    %dma_start3A_11 = tpu.memref_slice %dma_start3A_9[%sub3A_2, %dma_start3A_10] : memref<2048x1024xf32, #tpu.memory_space<hbm>> -> memref<1x1024xf32, #tpu.memory_space<hbm>>
    tpu.enqueue_dma source(%dma_start3A_11 : memref<1x1024xf32, #tpu.memory_space<hbm>>) target(%dma_start3A_5 : memref<1x1024xf32, #tpu.memory_space<hbm>>) target_semaphore(%arg5 : memref<!tpu.dma_semaphore, #tpu.memory_space<semaphore_mem>>)
    %get3A_12 = arith.constant 1 : i32
    %get3A_13 = arith.index_cast %get3A_12 : i32 to index
    %get3A_14 = memref.load %arg4[%get3A_13] : memref<16xi32, #tpu.memory_space<smem>>
    %sub3A_15 = arith.constant 1 : i32
    %sub3A_16 = arith.subi %get3A_14, %sub3A_15 : i32
    %dma_start3A_17 = arith.constant 1 : i32
    %dma_start3A_18 = arith.constant 1 : i32
    %dma_start3A_19 = arith.constant 0 : i32
    %dma_start3A_20 = tpu.memref_slice %arg3[%dma_start3A_18, %dma_start3A_19] : memref<16x1024xf32, #tpu.memory_space<hbm>> -> memref<1x1024xf32, #tpu.memory_space<hbm>>
    %dma_start3A_21 = arith.constant 0 : i32
    %dma_start3A_22 = arith.constant 0 : i32
    %dma_start3A_23 = tpu.memref_slice %arg1[%dma_start3A_17, %dma_start3A_21, %dma_start3A_22] : memref<16x2048x1024xf32, #tpu.memory_space<hbm>> -> memref<1x2048x1024xf32, #tpu.memory_space<hbm>>
    %dma_start3A_24 = tpu.memref_squeeze %dma_start3A_23 : memref<1x2048x1024xf32, #tpu.memory_space<hbm>> -> memref<2048x1024xf32, #tpu.memory_space<hbm>>
    %dma_start3A_25 = arith.constant 0 : i32
    %dma_start3A_26 = tpu.memref_slice %dma_start3A_24[%sub3A_16, %dma_start3A_25] : memref<2048x1024xf32, #tpu.memory_space<hbm>> -> memref<1x1024xf32, #tpu.memory_space<hbm>>
    tpu.enqueue_dma source(%dma_start3A_26 : memref<1x1024xf32, #tpu.memory_space<hbm>>) target(%dma_start3A_20 : memref<1x1024xf32, #tpu.memory_space<hbm>>) target_semaphore(%arg5 : memref<!tpu.dma_semaphore, #tpu.memory_space<semaphore_mem>>)
    %get3A_27 = arith.constant 2 : i32
    %get3A_28 = arith.index_cast %get3A_27 : i32 to index
    %get3A_29 = memref.load %arg4[%get3A_28] : memref<16xi32, #tpu.memory_space<smem>>
    %sub3A_30 = arith.constant 1 : i32
    %sub3A_31 = arith.subi %get3A_29, %sub3A_30 : i32
    %dma_start3A_32 = arith.constant 2 : i32
    %dma_start3A_33 = arith.constant 2 : i32
    %dma_start3A_34 = arith.constant 0 : i32
    %dma_start3A_35 = tpu.memref_slice %arg3[%dma_start3A_33, %dma_start3A_34] : memref<16x1024xf32, #tpu.memory_space<hbm>> -> memref<1x1024xf32, #tpu.memory_space<hbm>>
    %dma_start3A_36 = arith.constant 0 : i32
    %dma_start3A_37 = arith.constant 0 : i32
    %dma_start3A_38 = tpu.memref_slice %arg1[%dma_start3A_32, %dma_start3A_36, %dma_start3A_37] : memref<16x2048x1024xf32, #tpu.memory_space<hbm>> -> memref<1x2048x1024xf32, #tpu.memory_space<hbm>>
    %dma_start3A_39 = tpu.memref_squeeze %dma_start3A_38 : memref<1x2048x1024xf32, #tpu.memory_space<hbm>> -> memref<2048x1024xf32, #tpu.memory_space<hbm>>
    %dma_start3A_40 = arith.constant 0 : i32
    %dma_start3A_41 = tpu.memref_slice %dma_start3A_39[%sub3A_31, %dma_start3A_40] : memref<2048x1024xf32, #tpu.memory_space<hbm>> -> memref<1x1024xf32, #tpu.memory_space<hbm>>
    tpu.enqueue_dma source(%dma_start3A_41 : memref<1x1024xf32, #tpu.memory_space<hbm>>) target(%dma_start3A_35 : memref<1x1024xf32, #tpu.memory_space<hbm>>) target_semaphore(%arg5 : memref<!tpu.dma_semaphore, #tpu.memory_space<semaphore_mem>>)
    %get3A_42 = arith.constant 3 : i32
    %get3A_43 = arith.index_cast %get3A_42 : i32 to index
    %get3A_44 = memref.load %arg4[%get3A_43] : memref<16xi32, #tpu.memory_space<smem>>
    %sub3A_45 = arith.constant 1 : i32
    %sub3A_46 = arith.subi %get3A_44, %sub3A_45 : i32
    %dma_start3A_47 = arith.constant 3 : i32
    %dma_start3A_48 = arith.constant 3 : i32
    %dma_start3A_49 = arith.constant 0 : i32
    %dma_start3A_50 = tpu.memref_slice %arg3[%dma_start3A_48, %dma_start3A_49] : memref<16x1024xf32, #tpu.memory_space<hbm>> -> memref<1x1024xf32, #tpu.memory_space<hbm>>
    %dma_start3A_51 = arith.constant 0 : i32
    %dma_start3A_52 = arith.constant 0 : i32
    %dma_start3A_53 = tpu.memref_slice %arg1[%dma_start3A_47, %dma_start3A_51, %dma_start3A_52] : memref<16x2048x1024xf32, #tpu.memory_space<hbm>> -> memref<1x2048x1024xf32, #tpu.memory_space<hbm>>
    %dma_start3A_54 = tpu.memref_squeeze %dma_start3A_53 : memref<1x2048x1024xf32, #tpu.memory_space<hbm>> -> memref<2048x1024xf32, #tpu.memory_space<hbm>>
    %dma_start3A_55 = arith.constant 0 : i32
    %dma_start3A_56 = tpu.memref_slice %dma_start3A_54[%sub3A_46, %dma_start3A_55] : memref<2048x1024xf32, #tpu.memory_space<hbm>> -> memref<1x1024xf32, #tpu.memory_space<hbm>>
    tpu.enqueue_dma source(%dma_start3A_56 : memref<1x1024xf32, #tpu.memory_space<hbm>>) target(%dma_start3A_50 : memref<1x1024xf32, #tpu.memory_space<hbm>>) target_semaphore(%arg5 : memref<!tpu.dma_semaphore, #tpu.memory_space<semaphore_mem>>)
    %get3A_57 = arith.constant 4 : i32
    %get3A_58 = arith.index_cast %get3A_57 : i32 to index
    %get3A_59 = memref.load %arg4[%get3A_58] : memref<16xi32, #tpu.memory_space<smem>>
    %sub3A_60 = arith.constant 1 : i32
    %sub3A_61 = arith.subi %get3A_59, %sub3A_60 : i32
    %dma_start3A_62 = arith.constant 4 : i32
    %dma_start3A_63 = arith.constant 4 : i32
    %dma_start3A_64 = arith.constant 0 : i32
    %dma_start3A_65 = tpu.memref_slice %arg3[%dma_start3A_63, %dma_start3A_64] : memref<16x1024xf32, #tpu.memory_space<hbm>> -> memref<1x1024xf32, #tpu.memory_space<hbm>>
    %dma_start3A_66 = arith.constant 0 : i32
    %dma_start3A_67 = arith.constant 0 : i32
    %dma_start3A_68 = tpu.memref_slice %arg1[%dma_start3A_62, %dma_start3A_66, %dma_start3A_67] : memref<16x2048x1024xf32, #tpu.memory_space<hbm>> -> memref<1x2048x1024xf32, #tpu.memory_space<hbm>>
    %dma_start3A_69 = tpu.memref_squeeze %dma_start3A_68 : memref<1x2048x1024xf32, #tpu.memory_space<hbm>> -> memref<2048x1024xf32, #tpu.memory_space<hbm>>
    %dma_start3A_70 = arith.constant 0 : i32
    %dma_start3A_71 = tpu.memref_slice %dma_start3A_69[%sub3A_61, %dma_start3A_70] : memref<2048x1024xf32, #tpu.memory_space<hbm>> -> memref<1x1024xf32, #tpu.memory_space<hbm>>
    tpu.enqueue_dma source(%dma_start3A_71 : memref<1x1024xf32, #tpu.memory_space<hbm>>) target(%dma_start3A_65 : memref<1x1024xf32, #tpu.memory_space<hbm>>) target_semaphore(%arg5 : memref<!tpu.dma_semaphore, #tpu.memory_space<semaphore_mem>>)
    %get3A_72 = arith.constant 5 : i32
    %get3A_73 = arith.index_cast %get3A_72 : i32 to index
    %get3A_74 = memref.load %arg4[%get3A_73] : memref<16xi32, #tpu.memory_space<smem>>
    %sub3A_75 = arith.constant 1 : i32
    %sub3A_76 = arith.subi %get3A_74, %sub3A_75 : i32
    %dma_start3A_77 = arith.constant 5 : i32
    %dma_start3A_78 = arith.constant 5 : i32
    %dma_start3A_79 = arith.constant 0 : i32
    %dma_start3A_80 = tpu.memref_slice %arg3[%dma_start3A_78, %dma_start3A_79] : memref<16x1024xf32, #tpu.memory_space<hbm>> -> memref<1x1024xf32, #tpu.memory_space<hbm>>
    %dma_start3A_81 = arith.constant 0 : i32
    %dma_start3A_82 = arith.constant 0 : i32
    %dma_start3A_83 = tpu.memref_slice %arg1[%dma_start3A_77, %dma_start3A_81, %dma_start3A_82] : memref<16x2048x1024xf32, #tpu.memory_space<hbm>> -> memref<1x2048x1024xf32, #tpu.memory_space<hbm>>
    %dma_start3A_84 = tpu.memref_squeeze %dma_start3A_83 : memref<1x2048x1024xf32, #tpu.memory_space<hbm>> -> memref<2048x1024xf32, #tpu.memory_space<hbm>>
    %dma_start3A_85 = arith.constant 0 : i32
    %dma_start3A_86 = tpu.memref_slice %dma_start3A_84[%sub3A_76, %dma_start3A_85] : memref<2048x1024xf32, #tpu.memory_space<hbm>> -> memref<1x1024xf32, #tpu.memory_space<hbm>>
    tpu.enqueue_dma source(%dma_start3A_86 : memref<1x1024xf32, #tpu.memory_space<hbm>>) target(%dma_start3A_80 : memref<1x1024xf32, #tpu.memory_space<hbm>>) target_semaphore(%arg5 : memref<!tpu.dma_semaphore, #tpu.memory_space<semaphore_mem>>)
    %get3A_87 = arith.constant 6 : i32
    %get3A_88 = arith.index_cast %get3A_87 : i32 to index
    %get3A_89 = memref.load %arg4[%get3A_88] : memref<16xi32, #tpu.memory_space<smem>>
    %sub3A_90 = arith.constant 1 : i32
    %sub3A_91 = arith.subi %get3A_89, %sub3A_90 : i32
    %dma_start3A_92 = arith.constant 6 : i32
    %dma_start3A_93 = arith.constant 6 : i32
    %dma_start3A_94 = arith.constant 0 : i32
    %dma_start3A_95 = tpu.memref_slice %arg3[%dma_start3A_93, %dma_start3A_94] : memref<16x1024xf32, #tpu.memory_space<hbm>> -> memref<1x1024xf32, #tpu.memory_space<hbm>>
    %dma_start3A_96 = arith.constant 0 : i32
    %dma_start3A_97 = arith.constant 0 : i32
    %dma_start3A_98 = tpu.memref_slice %arg1[%dma_start3A_92, %dma_start3A_96, %dma_start3A_97] : memref<16x2048x1024xf32, #tpu.memory_space<hbm>> -> memref<1x2048x1024xf32, #tpu.memory_space<hbm>>
    %dma_start3A_99 = tpu.memref_squeeze %dma_start3A_98 : memref<1x2048x1024xf32, #tpu.memory_space<hbm>> -> memref<2048x1024xf32, #tpu.memory_space<hbm>>
    %dma_start3A_100 = arith.constant 0 : i32
    %dma_start3A_101 = tpu.memref_slice %dma_start3A_99[%sub3A_91, %dma_start3A_100] : memref<2048x1024xf32, #tpu.memory_space<hbm>> -> memref<1x1024xf32, #tpu.memory_space<hbm>>
    tpu.enqueue_dma source(%dma_start3A_101 : memref<1x1024xf32, #tpu.memory_space<hbm>>) target(%dma_start3A_95 : memref<1x1024xf32, #tpu.memory_space<hbm>>) target_semaphore(%arg5 : memref<!tpu.dma_semaphore, #tpu.memory_space<semaphore_mem>>)
    %get3A_102 = arith.constant 7 : i32
    %get3A_103 = arith.index_cast %get3A_102 : i32 to index
    %get3A_104 = memref.load %arg4[%get3A_103] : memref<16xi32, #tpu.memory_space<smem>>
    %sub3A_105 = arith.constant 1 : i32
    %sub3A_106 = arith.subi %get3A_104, %sub3A_105 : i32
    %dma_start3A_107 = arith.constant 7 : i32
    %dma_start3A_108 = arith.constant 7 : i32
    %dma_start3A_109 = arith.constant 0 : i32
    %dma_start3A_110 = tpu.memref_slice %arg3[%dma_start3A_108, %dma_start3A_109] : memref<16x1024xf32, #tpu.memory_space<hbm>> -> memref<1x1024xf32, #tpu.memory_space<hbm>>
    %dma_start3A_111 = arith.constant 0 : i32
    %dma_start3A_112 = arith.constant 0 : i32
    %dma_start3A_113 = tpu.memref_slice %arg1[%dma_start3A_107, %dma_start3A_111, %dma_start3A_112] : memref<16x2048x1024xf32, #tpu.memory_space<hbm>> -> memref<1x2048x1024xf32, #tpu.memory_space<hbm>>
    %dma_start3A_114 = tpu.memref_squeeze %dma_start3A_113 : memref<1x2048x1024xf32, #tpu.memory_space<hbm>> -> memref<2048x1024xf32, #tpu.memory_space<hbm>>
    %dma_start3A_115 = arith.constant 0 : i32
    %dma_start3A_116 = tpu.memref_slice %dma_start3A_114[%sub3A_106, %dma_start3A_115] : memref<2048x1024xf32, #tpu.memory_space<hbm>> -> memref<1x1024xf32, #tpu.memory_space<hbm>>
    tpu.enqueue_dma source(%dma_start3A_116 : memref<1x1024xf32, #tpu.memory_space<hbm>>) target(%dma_start3A_110 : memref<1x1024xf32, #tpu.memory_space<hbm>>) target_semaphore(%arg5 : memref<!tpu.dma_semaphore, #tpu.memory_space<semaphore_mem>>)
    %get3A_117 = arith.constant 8 : i32
    %get3A_118 = arith.index_cast %get3A_117 : i32 to index
    %get3A_119 = memref.load %arg4[%get3A_118] : memref<16xi32, #tpu.memory_space<smem>>
    %sub3A_120 = arith.constant 1 : i32
    %sub3A_121 = arith.subi %get3A_119, %sub3A_120 : i32
    %dma_start3A_122 = arith.constant 8 : i32
    %dma_start3A_123 = arith.constant 8 : i32
    %dma_start3A_124 = arith.constant 0 : i32
    %dma_start3A_125 = tpu.memref_slice %arg3[%dma_start3A_123, %dma_start3A_124] : memref<16x1024xf32, #tpu.memory_space<hbm>> -> memref<1x1024xf32, #tpu.memory_space<hbm>>
    %dma_start3A_126 = arith.constant 0 : i32
    %dma_start3A_127 = arith.constant 0 : i32
    %dma_start3A_128 = tpu.memref_slice %arg1[%dma_start3A_122, %dma_start3A_126, %dma_start3A_127] : memref<16x2048x1024xf32, #tpu.memory_space<hbm>> -> memref<1x2048x1024xf32, #tpu.memory_space<hbm>>
    %dma_start3A_129 = tpu.memref_squeeze %dma_start3A_128 : memref<1x2048x1024xf32, #tpu.memory_space<hbm>> -> memref<2048x1024xf32, #tpu.memory_space<hbm>>
    %dma_start3A_130 = arith.constant 0 : i32
    %dma_start3A_131 = tpu.memref_slice %dma_start3A_129[%sub3A_121, %dma_start3A_130] : memref<2048x1024xf32, #tpu.memory_space<hbm>> -> memref<1x1024xf32, #tpu.memory_space<hbm>>
    tpu.enqueue_dma source(%dma_start3A_131 : memref<1x1024xf32, #tpu.memory_space<hbm>>) target(%dma_start3A_125 : memref<1x1024xf32, #tpu.memory_space<hbm>>) target_semaphore(%arg5 : memref<!tpu.dma_semaphore, #tpu.memory_space<semaphore_mem>>)
    %get3A_132 = arith.constant 9 : i32
    %get3A_133 = arith.index_cast %get3A_132 : i32 to index
    %get3A_134 = memref.load %arg4[%get3A_133] : memref<16xi32, #tpu.memory_space<smem>>
    %sub3A_135 = arith.constant 1 : i32
    %sub3A_136 = arith.subi %get3A_134, %sub3A_135 : i32
    %dma_start3A_137 = arith.constant 9 : i32
    %dma_start3A_138 = arith.constant 9 : i32
    %dma_start3A_139 = arith.constant 0 : i32
    %dma_start3A_140 = tpu.memref_slice %arg3[%dma_start3A_138, %dma_start3A_139] : memref<16x1024xf32, #tpu.memory_space<hbm>> -> memref<1x1024xf32, #tpu.memory_space<hbm>>
    %dma_start3A_141 = arith.constant 0 : i32
    %dma_start3A_142 = arith.constant 0 : i32
    %dma_start3A_143 = tpu.memref_slice %arg1[%dma_start3A_137, %dma_start3A_141, %dma_start3A_142] : memref<16x2048x1024xf32, #tpu.memory_space<hbm>> -> memref<1x2048x1024xf32, #tpu.memory_space<hbm>>
    %dma_start3A_144 = tpu.memref_squeeze %dma_start3A_143 : memref<1x2048x1024xf32, #tpu.memory_space<hbm>> -> memref<2048x1024xf32, #tpu.memory_space<hbm>>
    %dma_start3A_145 = arith.constant 0 : i32
    %dma_start3A_146 = tpu.memref_slice %dma_start3A_144[%sub3A_136, %dma_start3A_145] : memref<2048x1024xf32, #tpu.memory_space<hbm>> -> memref<1x1024xf32, #tpu.memory_space<hbm>>
    tpu.enqueue_dma source(%dma_start3A_146 : memref<1x1024xf32, #tpu.memory_space<hbm>>) target(%dma_start3A_140 : memref<1x1024xf32, #tpu.memory_space<hbm>>) target_semaphore(%arg5 : memref<!tpu.dma_semaphore, #tpu.memory_space<semaphore_mem>>)
    %get3A_147 = arith.constant 10 : i32
    %get3A_148 = arith.index_cast %get3A_147 : i32 to index
    %get3A_149 = memref.load %arg4[%get3A_148] : memref<16xi32, #tpu.memory_space<smem>>
    %sub3A_150 = arith.constant 1 : i32
    %sub3A_151 = arith.subi %get3A_149, %sub3A_150 : i32
    %dma_start3A_152 = arith.constant 10 : i32
    %dma_start3A_153 = arith.constant 10 : i32
    %dma_start3A_154 = arith.constant 0 : i32
    %dma_start3A_155 = tpu.memref_slice %arg3[%dma_start3A_153, %dma_start3A_154] : memref<16x1024xf32, #tpu.memory_space<hbm>> -> memref<1x1024xf32, #tpu.memory_space<hbm>>
    %dma_start3A_156 = arith.constant 0 : i32
    %dma_start3A_157 = arith.constant 0 : i32
    %dma_start3A_158 = tpu.memref_slice %arg1[%dma_start3A_152, %dma_start3A_156, %dma_start3A_157] : memref<16x2048x1024xf32, #tpu.memory_space<hbm>> -> memref<1x2048x1024xf32, #tpu.memory_space<hbm>>
    %dma_start3A_159 = tpu.memref_squeeze %dma_start3A_158 : memref<1x2048x1024xf32, #tpu.memory_space<hbm>> -> memref<2048x1024xf32, #tpu.memory_space<hbm>>
    %dma_start3A_160 = arith.constant 0 : i32
    %dma_start3A_161 = tpu.memref_slice %dma_start3A_159[%sub3A_151, %dma_start3A_160] : memref<2048x1024xf32, #tpu.memory_space<hbm>> -> memref<1x1024xf32, #tpu.memory_space<hbm>>
    tpu.enqueue_dma source(%dma_start3A_161 : memref<1x1024xf32, #tpu.memory_space<hbm>>) target(%dma_start3A_155 : memref<1x1024xf32, #tpu.memory_space<hbm>>) target_semaphore(%arg5 : memref<!tpu.dma_semaphore, #tpu.memory_space<semaphore_mem>>)
    %get3A_162 = arith.constant 11 : i32
    %get3A_163 = arith.index_cast %get3A_162 : i32 to index
    %get3A_164 = memref.load %arg4[%get3A_163] : memref<16xi32, #tpu.memory_space<smem>>
    %sub3A_165 = arith.constant 1 : i32
    %sub3A_166 = arith.subi %get3A_164, %sub3A_165 : i32
    %dma_start3A_167 = arith.constant 11 : i32
    %dma_start3A_168 = arith.constant 11 : i32
    %dma_start3A_169 = arith.constant 0 : i32
    %dma_start3A_170 = tpu.memref_slice %arg3[%dma_start3A_168, %dma_start3A_169] : memref<16x1024xf32, #tpu.memory_space<hbm>> -> memref<1x1024xf32, #tpu.memory_space<hbm>>
    %dma_start3A_171 = arith.constant 0 : i32
    %dma_start3A_172 = arith.constant 0 : i32
    %dma_start3A_173 = tpu.memref_slice %arg1[%dma_start3A_167, %dma_start3A_171, %dma_start3A_172] : memref<16x2048x1024xf32, #tpu.memory_space<hbm>> -> memref<1x2048x1024xf32, #tpu.memory_space<hbm>>
    %dma_start3A_174 = tpu.memref_squeeze %dma_start3A_173 : memref<1x2048x1024xf32, #tpu.memory_space<hbm>> -> memref<2048x1024xf32, #tpu.memory_space<hbm>>
    %dma_start3A_175 = arith.constant 0 : i32
    %dma_start3A_176 = tpu.memref_slice %dma_start3A_174[%sub3A_166, %dma_start3A_175] : memref<2048x1024xf32, #tpu.memory_space<hbm>> -> memref<1x1024xf32, #tpu.memory_space<hbm>>
    tpu.enqueue_dma source(%dma_start3A_176 : memref<1x1024xf32, #tpu.memory_space<hbm>>) target(%dma_start3A_170 : memref<1x1024xf32, #tpu.memory_space<hbm>>) target_semaphore(%arg5 : memref<!tpu.dma_semaphore, #tpu.memory_space<semaphore_mem>>)
    %get3A_177 = arith.constant 12 : i32
    %get3A_178 = arith.index_cast %get3A_177 : i32 to index
    %get3A_179 = memref.load %arg4[%get3A_178] : memref<16xi32, #tpu.memory_space<smem>>
    %sub3A_180 = arith.constant 1 : i32
    %sub3A_181 = arith.subi %get3A_179, %sub3A_180 : i32
    %dma_start3A_182 = arith.constant 12 : i32
    %dma_start3A_183 = arith.constant 12 : i32
    %dma_start3A_184 = arith.constant 0 : i32
    %dma_start3A_185 = tpu.memref_slice %arg3[%dma_start3A_183, %dma_start3A_184] : memref<16x1024xf32, #tpu.memory_space<hbm>> -> memref<1x1024xf32, #tpu.memory_space<hbm>>
    %dma_start3A_186 = arith.constant 0 : i32
    %dma_start3A_187 = arith.constant 0 : i32
    %dma_start3A_188 = tpu.memref_slice %arg1[%dma_start3A_182, %dma_start3A_186, %dma_start3A_187] : memref<16x2048x1024xf32, #tpu.memory_space<hbm>> -> memref<1x2048x1024xf32, #tpu.memory_space<hbm>>
    %dma_start3A_189 = tpu.memref_squeeze %dma_start3A_188 : memref<1x2048x1024xf32, #tpu.memory_space<hbm>> -> memref<2048x1024xf32, #tpu.memory_space<hbm>>
    %dma_start3A_190 = arith.constant 0 : i32
    %dma_start3A_191 = tpu.memref_slice %dma_start3A_189[%sub3A_181, %dma_start3A_190] : memref<2048x1024xf32, #tpu.memory_space<hbm>> -> memref<1x1024xf32, #tpu.memory_space<hbm>>
    tpu.enqueue_dma source(%dma_start3A_191 : memref<1x1024xf32, #tpu.memory_space<hbm>>) target(%dma_start3A_185 : memref<1x1024xf32, #tpu.memory_space<hbm>>) target_semaphore(%arg5 : memref<!tpu.dma_semaphore, #tpu.memory_space<semaphore_mem>>)
    %get3A_192 = arith.constant 13 : i32
    %get3A_193 = arith.index_cast %get3A_192 : i32 to index
    %get3A_194 = memref.load %arg4[%get3A_193] : memref<16xi32, #tpu.memory_space<smem>>
    %sub3A_195 = arith.constant 1 : i32
    %sub3A_196 = arith.subi %get3A_194, %sub3A_195 : i32
    %dma_start3A_197 = arith.constant 13 : i32
    %dma_start3A_198 = arith.constant 13 : i32
    %dma_start3A_199 = arith.constant 0 : i32
    %dma_start3A_200 = tpu.memref_slice %arg3[%dma_start3A_198, %dma_start3A_199] : memref<16x1024xf32, #tpu.memory_space<hbm>> -> memref<1x1024xf32, #tpu.memory_space<hbm>>
    %dma_start3A_201 = arith.constant 0 : i32
    %dma_start3A_202 = arith.constant 0 : i32
    %dma_start3A_203 = tpu.memref_slice %arg1[%dma_start3A_197, %dma_start3A_201, %dma_start3A_202] : memref<16x2048x1024xf32, #tpu.memory_space<hbm>> -> memref<1x2048x1024xf32, #tpu.memory_space<hbm>>
    %dma_start3A_204 = tpu.memref_squeeze %dma_start3A_203 : memref<1x2048x1024xf32, #tpu.memory_space<hbm>> -> memref<2048x1024xf32, #tpu.memory_space<hbm>>
    %dma_start3A_205 = arith.constant 0 : i32
    %dma_start3A_206 = tpu.memref_slice %dma_start3A_204[%sub3A_196, %dma_start3A_205] : memref<2048x1024xf32, #tpu.memory_space<hbm>> -> memref<1x1024xf32, #tpu.memory_space<hbm>>
    tpu.enqueue_dma source(%dma_start3A_206 : memref<1x1024xf32, #tpu.memory_space<hbm>>) target(%dma_start3A_200 : memref<1x1024xf32, #tpu.memory_space<hbm>>) target_semaphore(%arg5 : memref<!tpu.dma_semaphore, #tpu.memory_space<semaphore_mem>>)
    %get3A_207 = arith.constant 14 : i32
    %get3A_208 = arith.index_cast %get3A_207 : i32 to index
    %get3A_209 = memref.load %arg4[%get3A_208] : memref<16xi32, #tpu.memory_space<smem>>
    %sub3A_210 = arith.constant 1 : i32
    %sub3A_211 = arith.subi %get3A_209, %sub3A_210 : i32
    %dma_start3A_212 = arith.constant 14 : i32
    %dma_start3A_213 = arith.constant 14 : i32
    %dma_start3A_214 = arith.constant 0 : i32
    %dma_start3A_215 = tpu.memref_slice %arg3[%dma_start3A_213, %dma_start3A_214] : memref<16x1024xf32, #tpu.memory_space<hbm>> -> memref<1x1024xf32, #tpu.memory_space<hbm>>
    %dma_start3A_216 = arith.constant 0 : i32
    %dma_start3A_217 = arith.constant 0 : i32
    %dma_start3A_218 = tpu.memref_slice %arg1[%dma_start3A_212, %dma_start3A_216, %dma_start3A_217] : memref<16x2048x1024xf32, #tpu.memory_space<hbm>> -> memref<1x2048x1024xf32, #tpu.memory_space<hbm>>
    %dma_start3A_219 = tpu.memref_squeeze %dma_start3A_218 : memref<1x2048x1024xf32, #tpu.memory_space<hbm>> -> memref<2048x1024xf32, #tpu.memory_space<hbm>>
    %dma_start3A_220 = arith.constant 0 : i32
    %dma_start3A_221 = tpu.memref_slice %dma_start3A_219[%sub3A_211, %dma_start3A_220] : memref<2048x1024xf32, #tpu.memory_space<hbm>> -> memref<1x1024xf32, #tpu.memory_space<hbm>>
    tpu.enqueue_dma source(%dma_start3A_221 : memref<1x1024xf32, #tpu.memory_space<hbm>>) target(%dma_start3A_215 : memref<1x1024xf32, #tpu.memory_space<hbm>>) target_semaphore(%arg5 : memref<!tpu.dma_semaphore, #tpu.memory_space<semaphore_mem>>)
    %get3A_222 = arith.constant 15 : i32
    %get3A_223 = arith.index_cast %get3A_222 : i32 to index
    %get3A_224 = memref.load %arg4[%get3A_223] : memref<16xi32, #tpu.memory_space<smem>>
    %sub3A_225 = arith.constant 1 : i32
    %sub3A_226 = arith.subi %get3A_224, %sub3A_225 : i32
    %dma_start3A_227 = arith.constant 15 : i32
    %dma_start3A_228 = arith.constant 15 : i32
    %dma_start3A_229 = arith.constant 0 : i32
    %dma_start3A_230 = tpu.memref_slice %arg3[%dma_start3A_228, %dma_start3A_229] : memref<16x1024xf32, #tpu.memory_space<hbm>> -> memref<1x1024xf32, #tpu.memory_space<hbm>>
    %dma_start3A_231 = arith.constant 0 : i32
    %dma_start3A_232 = arith.constant 0 : i32
    %dma_start3A_233 = tpu.memref_slice %arg1[%dma_start3A_227, %dma_start3A_231, %dma_start3A_232] : memref<16x2048x1024xf32, #tpu.memory_space<hbm>> -> memref<1x2048x1024xf32, #tpu.memory_space<hbm>>
    %dma_start3A_234 = tpu.memref_squeeze %dma_start3A_233 : memref<1x2048x1024xf32, #tpu.memory_space<hbm>> -> memref<2048x1024xf32, #tpu.memory_space<hbm>>
    %dma_start3A_235 = arith.constant 0 : i32
    %dma_start3A_236 = tpu.memref_slice %dma_start3A_234[%sub3A_226, %dma_start3A_235] : memref<2048x1024xf32, #tpu.memory_space<hbm>> -> memref<1x1024xf32, #tpu.memory_space<hbm>>
    tpu.enqueue_dma source(%dma_start3A_236 : memref<1x1024xf32, #tpu.memory_space<hbm>>) target(%dma_start3A_230 : memref<1x1024xf32, #tpu.memory_space<hbm>>) target_semaphore(%arg5 : memref<!tpu.dma_semaphore, #tpu.memory_space<semaphore_mem>>)
    %dma_wait3A = arith.constant 0 : i32
    %dma_wait3A_237 = arith.constant 0 : i32
    %dma_wait3A_238 = arith.constant 0 : i32
    %dma_wait3A_239 = tpu.memref_slice %arg1[%dma_wait3A, %dma_wait3A_237, %dma_wait3A_238] : memref<16x2048x1024xf32, #tpu.memory_space<hbm>> -> memref<1x2048x1024xf32, #tpu.memory_space<hbm>>
    %dma_wait3A_240 = tpu.memref_squeeze %dma_wait3A_239 : memref<1x2048x1024xf32, #tpu.memory_space<hbm>> -> memref<2048x1024xf32, #tpu.memory_space<hbm>>
    tpu.wait_dma2 semaphore(%arg5 : memref<!tpu.dma_semaphore, #tpu.memory_space<semaphore_mem>>) src(%dma_wait3A_240 : memref<2048x1024xf32, #tpu.memory_space<hbm>>) dst(%arg3 : memref<16x1024xf32, #tpu.memory_space<hbm>>)
    return
  }
}

</mosaic_0001>

<sc_bundles>
// kernel: kernel.3.cloned.1.call-start
scs
__scs_entry_jumppad:
0x0: {  	(pc) =	sbr.rel $0x88, $3  }
0x1: {  	(tag) =	ssettag $0x0;
	lr =	simm.s32 $0x1  }
0x2: {  	[smem:$0x3F9F] =	sst lr;
	_ =	strace $0xD0000000  }
0x3: {  	_ = 	snop  }
0x4: {  	_ = 	snop  }
0x5: {  	_ = 	snop  }
0x6: {  	_ = 	snop  }
0x7: {  	_ = 	snop  }
__scs_overlays_trampoline_lowered:
0x8: {  	[smem:$0x3FAE] =	sst s0  }
0x9: {  	[smem:$0x3FAF] =	sst s1  }
0xa: {  	[smem:$0x3FB0] =	sst s2  }
0xb: {  	[smem:$0x3FB1] =	sst s3  }
0xc: {  	[smem:$0x3FB2] =	sst s4  }
0xd: {  	[smem:$0x3FB3] =	sst s5  }
0xe: {  	[smem:$0x3FB4] =	sst s6  }
0xf: {  	[smem:$0x3FB5] =	sst s7  }
0x10: {  	[smem:$0x3FB6] =	sst s8  }
0x11: {  	[smem:$0x3FB7] =	sst s9;
	s0 =	simm.s32 @!p0 $0x0  }
0x12: {  	s1 =	sld [smem:$0x3F9D];
	s0 =	simm.s32 @p0 $0x1  }
0x13: {  	[smem:$0x3FB8] =	sst s0;
	s0 =	simm.s32 @!p1 $0x0  }
0x14: {  	s2 =	sld [smem:$0x3F9C];
	s0 =	simm.s32 @p1 $0x1  }
0x15: {  	[smem:$0x3FB9] =	sst s0;
	s0 =	simm.s32 @!p2 $0x0  }
0x16: {  	s3 =	sld [smem:$0x3FDB];
	s0 =	simm.s32 @p2 $0x1  }
0x17: {  	s4 =	simm.s32 $0x1BF5;
	[smem:$0x3FBB] =	sst s0  }
0x18: {  	s0 =	sld [smem:$0x3F9E];
	_ =	swait.ge [sflag:s4], $0x0  }
0x19: {  	s7 =	sld [smem:$0x3F9F]  }
0x1a: {  	s8 =	sadd.s32 $0xFFFFE003, lr  }
0x1b: {  	s9 =	sadd.s32 $0xFFFFFEF7, lr;
	s5 =	simm.s32 $0xFFFFFFFF;
	p2 =	slt.u32 s8, $0xFFFFF086  }
0x1c: {  	p1 =	slt.u32 s9, $0xF7A;
	s5 =	simm.s32 @!p2 $0x0  }
0x1d: {  	s5 =	simm.s32 @p1 $0x1;
	p0 =	seq.s32 s7, s2  }
0x1e: {  	s7 =	smul.u32 @!p0 $0xF7A, s2;
	p2 =	seq.s32 @!p0 s5, $0x0  }
0x1f: {  	s9 =	smul.u32 $0xF7A, s1;
	s8 =	simm.s32 @!p0 $0x1BF5;
	p2 =	por !p2, p0  }
0x20: {  	[sflag:s8] =	ssyncset.s32 @!p0 $0xFFFFF086;
	s6 =	sadd.s32 @!p0 s3, s7;
	s7 =	simm.s32 @!p0 $0x108  }
0x21: {  	s3 =	sadd.s32 s3, s9;
	s6 =	sadd.s32 @!p0 $0x88, s6;
	s7 =	simm.s32 @p2 $0x1082  }
0x22: {  	[simem:s7], [sflag:s8] =	dma.local @!p0 [hbm:s6], $0xF7A  }
0x23: {  	s9 =	sor.u32 $0xD0000000, s2;
	s6 =	simm.s32 $0x108;
	_ =	swait.ge @!p0 [sflag:s8], $0x0  }
0x24: {  	s3 =	sadd.s32 $0x88, s3;
	s6 =	simm.s32 @!p1 $0x1082;
	[sflag:s4] =	ssyncset.s32 $0xFFFFF086  }
0x25: {  	[simem:s6], [sflag:s4] =	dma.local [hbm:s3], $0xF7A  }
0x26: {  	[smem:$0x3F9F] =	sst s1;
	(tag) =	ssettag s2;
	_ =	strace s9  }
0x27: {  	s1 =	sld [smem:$0x3FAF]  }
0x28: {  	s2 =	sld [smem:$0x3FB0]  }
0x29: {  	s4 =	sld [smem:$0x3FB2]  }
0x2a: {  	p0 =	seq.s32 s5, $0x0;
	s5 =	sld [smem:$0x3FB3]  }
0x2b: {  	s6 =	sld [smem:$0x3FB4]  }
0x2c: {  	s7 =	sld [smem:$0x3FB5]  }
0x2d: {  	s3 =	simm.s32 $0x108;
	s8 =	sld [smem:$0x3FB6]  }
0x2e: {  	s3 =	simm.s32 @!p0 $0x1082;
	s9 =	sld [smem:$0x3FB7]  }
0x2f: {  	lr =	sadd.s32 s0, s3;
	s0 =	sld [smem:$0x3FAE]  }
0x30: {  	s3 =	sld [smem:$0x3FB1]  }
0x31: {  	[smem:$0x3FBA] =	sst s10  }
0x32: {  	s10 =	sld [smem:$0x3FB8];
	_ =	sdelay $0x3  }
0x33: {  	p0 =	seq.s32 s10, $0x1;
	s10 =	sld [smem:$0x3FBA];
	_ =	sdelay $0x3  }
0x34: {  	[smem:$0x3FBA] =	sst s10  }
0x35: {  	s10 =	sld [smem:$0x3FB9];
	_ =	sdelay $0x3  }
0x36: {  	p1 =	seq.s32 s10, $0x1;
	s10 =	sld [smem:$0x3FBA];
	_ =	sdelay $0x3  }
0x37: {  	[smem:$0x3FBA] =	sst s10  }
0x38: {  	s10 =	sld [smem:$0x3FBB]  }
0x39: {  	_ = 	snop;
	(pc) =	sbr.ind lr, $3  }
0x3a: {  	_ = 	snop  }
0x3b: {  	_ = 	snop  }
0x3c: {  	p2 =	seq.s32 s10, $0x1;
	s10 =	sld [smem:$0x3FBA]  }
0x3d: {  	_ =	shalt  }
0x3e: {  	_ =	shalt  }
0x3f: {  	_ =	shalt  }
0x40: {  	_ =	shalt  }
0x41: {  	_ =	shalt  }
0x42: {  	_ =	shalt  }
0x43: {  	_ =	shalt  }
0x44: {  	_ =	shalt  }
0x45: {  	_ =	shalt  }
0x46: {  	_ =	shalt  }
0x47: {  	_ =	shalt  }
0x48: {  	_ =	shalt  }
0x49: {  	_ =	shalt  }
0x4a: {  	_ =	shalt  }
0x4b: {  	_ =	shalt  }
0x4c: {  	_ =	shalt  }
0x4d: {  	_ =	shalt  }
0x4e: {  	_ =	shalt  }
0x4f: {  	_ =	shalt  }
0x50: {  	_ =	shalt  }
0x51: {  	_ =	shalt  }
0x52: {  	_ =	shalt  }
0x53: {  	_ =	shalt  }
0x54: {  	_ =	shalt  }
0x55: {  	_ =	shalt  }
0x56: {  	_ =	shalt  }
0x57: {  	_ =	shalt  }
0x58: {  	_ =	shalt  }
0x59: {  	_ =	shalt  }
0x5a: {  	_ =	shalt  }
0x5b: {  	_ =	shalt  }
0x5c: {  	_ =	shalt  }
0x5d: {  	_ =	shalt  }
0x5e: {  	_ =	shalt  }
0x5f: {  	_ =	shalt  }
0x60: {  	_ =	shalt  }
0x61: {  	_ =	shalt  }
0x62: {  	_ =	shalt  }
0x63: {  	_ =	shalt  }
0x64: {  	_ =	shalt  }
0x65: {  	_ =	shalt  }
0x66: {  	_ =	shalt  }
0x67: {  	_ =	shalt  }
0x68: {  	_ =	shalt  }
0x69: {  	_ =	shalt  }
0x6a: {  	_ =	shalt  }
0x6b: {  	_ =	shalt  }
0x6c: {  	_ =	shalt  }
0x6d: {  	_ =	shalt  }
0x6e: {  	_ =	shalt  }
0x6f: {  	_ =	shalt  }
0x70: {  	_ =	shalt  }
0x71: {  	_ =	shalt  }
0x72: {  	_ =	shalt  }
0x73: {  	_ =	shalt  }
0x74: {  	_ =	shalt  }
0x75: {  	_ =	shalt  }
0x76: {  	_ =	shalt  }
0x77: {  	_ =	shalt  }
0x78: {  	_ =	shalt  }
0x79: {  	_ =	shalt  }
0x7a: {  	_ =	shalt  }
0x7b: {  	_ =	shalt  }
0x7c: {  	_ =	shalt  }
0x7d: {  	_ =	shalt  }
0x7e: {  	_ =	shalt  }
0x7f: {  	_ =	shalt  }
0x80: {  	_ =	shalt  }
0x81: {  	_ =	shalt  }
0x82: {  	_ =	shalt  }
0x83: {  	_ =	shalt  }
0x84: {  	_ =	shalt  }
0x85: {  	_ =	shalt  }
0x86: {  	_ =	shalt  }
0x87: {  	_ =	shalt  }
.Lfunc_end0:
.L_simem_size_0:
called_computation_lowered:
.L_overlay_start_0:
0x88: {  	s0 =	sld [smem:$0x3FD9]  }
0x89: {  	s1 =	sld [smem:$0x3FFE];
	_ =	sdelay $0x3  }
0x8a: {  	s0 =	sadd.s32 s1, s0  }
0x8b: {  	s3 =	simm.s32 $0x0;
	[smem:$0x3FC6] =	sst s0  }
0x8c: {  	[smem:$0xF] =	sst s3  }
0x8d: {  	s0 =	sld [smem:$0x3FC9]  }
0x8e: {  	s2 =	sld [smem:$0x3FC8]  }
0x8f: {  	s1 =	sld [smem:$0x3FD0];
	(tm) =	ssettm $0x1  }
0x90: {  	s17 =	sld [smem:$0x3FFB];
	_ =	sdelay $0x3  }
0x91: {  	_ =	strace s17  }
0x92: {  	s3 =	sld [smem:$0x3FFC];
	_ =	sdelay $0x3  }
0x93: {  	_ =	strace s3  }
0x94: {  	s3 =	sld [smem:$0x3FFD];
	_ =	sdelay $0x3  }
0x95: {  	_ =	strace s3  }
0x96: {  	s18 =	simm.s32 $0x1B8B;
	_ =	strace $0x8FFFFFFF  }
0x97: {  	_ =	swait.ge [sflag:s18], $0x1  }
0x98: {  	[sflag:s18] =	ssyncset.done $0x0  }
0x99: {  	s19 =	simm.s32 $0x1B8E;
	[sflag:s18] =	ssyncadd.s32 $0xFFFFFFFF  }
0x9a: {  	[smem:$0x3FD2] =	sst s19  }
0x9b: {  	s20 =	simm.s32 $0xA;
	s4 =	simm.s32 $0x10;
	_ =	strace $0x80000046  }
0x9c: {  	[smem:s4], [sflag:s20] =	dma.local [hbm:s2], $0x10  }
0x9d: {  	_ =	swait.ge [sflag:s20], $0x10  }
0x9e: {  	[sflag:s20] =	ssyncset.done $0x0  }
0x9f: {  	[sflag:s20] =	ssyncadd.s32 $0xFFFFFFF0  }
0xa0: {  	s21 =	sld [smem:$0x10];
	_ =	sdelay $0x3  }
0xa1: {  	s2 =	sadd.s32 $0xFFFFFFFF, s21  }
0xa2: {  	s22 =	sshll.u32 s2, $0xA;
	s2 =	sshll.u32 s2, $0x7  }
0xa3: {  	s3 =	sand.u32 $0xFFFFE000, s22;
	s2 =	sand.u32 $0x380, s2  }
0xa4: {  	s2 =	sor.u32 s2, s3  }
0xa5: {  	s4 =	simm.s32 $0x80;
	s2 =	sshrl.u32 s2, $0x3  }
0xa6: {  	s3 =	simm.s32 $0x1;
	s5 =	sadd.s32 s0, s2;
	s2 =	simm.s32 $0x9  }
0xa7: {  	[hbm:s1@s4], [sflag:s2] =	dma.strided [hbm:s5@s4], $0x80, s3, $0x10   }
0xa8: {  	s5 =	sld [smem:$0x11];
	_ =	sdelay $0x3  }
0xa9: {  	s5 =	sadd.s32 $0xFFFFFFFF, s5  }
0xaa: {  	s6 =	sshll.u32 s5, $0xA;
	s5 =	sshll.u32 s5, $0x7  }
0xab: {  	s6 =	sand.u32 $0xFFFFE000, s6;
	s5 =	sand.u32 $0x380, s5  }
0xac: {  	s5 =	sor.u32 s5, s6  }
0xad: {  	s5 =	sshrl.u32 s5, $0x3  }
0xae: {  	s5 =	sadd.s32 s5, s0  }
0xaf: {  	s23 =	sadd.s32 $0x10, s1;
	s5 =	sadd.s32 $0x40000, s5  }
0xb0: {  	[hbm:s23@s4], [sflag:s2] =	dma.strided [hbm:s5@s4], $0x80, s3, $0x10   }
0xb1: {  	s5 =	sld [smem:$0x12];
	_ =	sdelay $0x3  }
0xb2: {  	s5 =	sadd.s32 $0xFFFFFFFF, s5  }
0xb3: {  	s24 =	sshll.u32 s5, $0xA;
	s5 =	sshll.u32 s5, $0x7  }
0xb4: {  	s6 =	sand.u32 $0xFFFFE000, s24;
	s5 =	sand.u32 $0x380, s5  }
0xb5: {  	s5 =	sor.u32 s5, s6  }
0xb6: {  	s5 =	sshrl.u32 s5, $0x3  }
0xb7: {  	s5 =	sadd.s32 s5, s0  }
0xb8: {  	s25 =	sadd.s32 $0x20, s1;
	s5 =	sadd.s32 $0x80000, s5  }
0xb9: {  	[hbm:s25@s4], [sflag:s2] =	dma.strided [hbm:s5@s4], $0x80, s3, $0x10   }
0xba: {  	s5 =	sld [smem:$0x13];
	_ =	sdelay $0x3  }
0xbb: {  	s5 =	sadd.s32 $0xFFFFFFFF, s5  }
0xbc: {  	s26 =	sshll.u32 s5, $0xA;
	s5 =	sshll.u32 s5, $0x7  }
0xbd: {  	s6 =	sand.u32 $0xFFFFE000, s26;
	s5 =	sand.u32 $0x380, s5  }
0xbe: {  	s5 =	sor.u32 s5, s6  }
0xbf: {  	s5 =	sshrl.u32 s5, $0x3  }
0xc0: {  	s5 =	sadd.s32 s5, s0  }
0xc1: {  	s28 =	sadd.s32 $0x30, s1;
	s5 =	sadd.s32 $0xC0000, s5  }
0xc2: {  	[hbm:s28@s4], [sflag:s2] =	dma.strided [hbm:s5@s4], $0x80, s3, $0x10   }
0xc3: {  	s5 =	sld [smem:$0x14];
	_ =	sdelay $0x3  }
0xc4: {  	s5 =	sadd.s32 $0xFFFFFFFF, s5  }
0xc5: {  	s29 =	sshll.u32 s5, $0xA;
	s5 =	sshll.u32 s5, $0x7  }
0xc6: {  	s6 =	sand.u32 $0xFFFFE000, s29;
	s5 =	sand.u32 $0x380, s5  }
0xc7: {  	s5 =	sor.u32 s5, s6  }
0xc8: {  	s5 =	sshrl.u32 s5, $0x3  }
0xc9: {  	s5 =	sadd.s32 s5, s0  }
0xca: {  	s30 =	sadd.s32 $0x40, s1;
	s5 =	sadd.s32 $0x100000, s5  }
0xcb: {  	[hbm:s30@s4], [sflag:s2] =	dma.strided [hbm:s5@s4], $0x80, s3, $0x10   }
0xcc: {  	s5 =	sld [smem:$0x15];
	_ =	sdelay $0x3  }
0xcd: {  	s5 =	sadd.s32 $0xFFFFFFFF, s5  }
0xce: {  	s31 =	sshll.u32 s5, $0xA;
	s5 =	sshll.u32 s5, $0x7  }
0xcf: {  	s6 =	sand.u32 $0xFFFFE000, s31;
	s5 =	sand.u32 $0x380, s5  }
0xd0: {  	s5 =	sor.u32 s5, s6  }
0xd1: {  	s5 =	sshrl.u32 s5, $0x3  }
0xd2: {  	s5 =	sadd.s32 s5, s0  }
0xd3: {  	s7 =	sadd.s32 $0x50, s1;
	s5 =	sadd.s32 $0x140000, s5  }
0xd4: {  	[hbm:s7@s4], [sflag:s2] =	dma.strided [hbm:s5@s4], $0x80, s3, $0x10   }
0xd5: {  	s5 =	sld [smem:$0x16];
	_ =	sdelay $0x3  }
0xd6: {  	s5 =	sadd.s32 $0xFFFFFFFF, s5  }
0xd7: {  	s8 =	sshll.u32 s5, $0xA;
	s5 =	sshll.u32 s5, $0x7  }
0xd8: {  	s6 =	sand.u32 $0xFFFFE000, s8;
	s5 =	sand.u32 $0x380, s5  }
0xd9: {  	s5 =	sor.u32 s5, s6  }
0xda: {  	s5 =	sshrl.u32 s5, $0x3  }
0xdb: {  	s5 =	sadd.s32 s5, s0  }
0xdc: {  	s9 =	sadd.s32 $0x60, s1;
	s5 =	sadd.s32 $0x180000, s5  }
0xdd: {  	[hbm:s9@s4], [sflag:s2] =	dma.strided [hbm:s5@s4], $0x80, s3, $0x10   }
0xde: {  	s5 =	sld [smem:$0x17];
	_ =	sdelay $0x3  }
0xdf: {  	s5 =	sadd.s32 $0xFFFFFFFF, s5  }
0xe0: {  	s10 =	sshll.u32 s5, $0xA;
	s5 =	sshll.u32 s5, $0x7  }
0xe1: {  	s6 =	sand.u32 $0xFFFFE000, s10;
	s5 =	sand.u32 $0x380, s5  }
0xe2: {  	s5 =	sor.u32 s5, s6  }
0xe3: {  	s5 =	sshrl.u32 s5, $0x3  }
0xe4: {  	s5 =	sadd.s32 s5, s0  }
0xe5: {  	s11 =	sadd.s32 $0x70, s1;
	s5 =	sadd.s32 $0x1C0000, s5  }
0xe6: {  	[hbm:s11@s4], [sflag:s2] =	dma.strided [hbm:s5@s4], $0x80, s3, $0x10   }
0xe7: {  	s5 =	sld [smem:$0x18];
	_ =	sdelay $0x3  }
0xe8: {  	s5 =	sadd.s32 $0xFFFFFFFF, s5  }
0xe9: {  	s12 =	sshll.u32 s5, $0xA;
	s5 =	sshll.u32 s5, $0x7  }
0xea: {  	s6 =	sand.u32 $0xFFFFE000, s12;
	s5 =	sand.u32 $0x380, s5  }
0xeb: {  	s5 =	sor.u32 s5, s6  }
0xec: {  	s5 =	sshrl.u32 s5, $0x3  }
0xed: {  	s5 =	sadd.s32 s5, s0  }
0xee: {  	s13 =	sadd.s32 $0x400, s1;
	s5 =	sadd.s32 $0x200000, s5  }
0xef: {  	[hbm:s13@s4], [sflag:s2] =	dma.strided [hbm:s5@s4], $0x80, s3, $0x10   }
0xf0: {  	s5 =	sld [smem:$0x19];
	_ =	sdelay $0x3  }
0xf1: {  	s5 =	sadd.s32 $0xFFFFFFFF, s5  }
0xf2: {  	s14 =	sshll.u32 s5, $0xA;
	s5 =	sshll.u32 s5, $0x7  }
0xf3: {  	s6 =	sand.u32 $0xFFFFE000, s14;
	s5 =	sand.u32 $0x380, s5  }
0xf4: {  	s5 =	sor.u32 s5, s6  }
0xf5: {  	s5 =	sshrl.u32 s5, $0x3  }
0xf6: {  	s5 =	sadd.s32 s5, s0  }
0xf7: {  	s15 =	sadd.s32 $0x410, s1;
	s5 =	sadd.s32 $0x240000, s5  }
0xf8: {  	[hbm:s15@s4], [sflag:s2] =	dma.strided [hbm:s5@s4], $0x80, s3, $0x10   }
0xf9: {  	s5 =	sld [smem:$0x1A];
	_ =	sdelay $0x3  }
0xfa: {  	s5 =	sadd.s32 $0xFFFFFFFF, s5  }
0xfb: {  	s16 =	sshll.u32 s5, $0xA;
	s5 =	sshll.u32 s5, $0x7  }
0xfc: {  	s6 =	sand.u32 $0xFFFFE000, s16;
	s5 =	sand.u32 $0x380, s5  }
0xfd: {  	s5 =	sor.u32 s5, s6  }
0xfe: {  	s5 =	sshrl.u32 s5, $0x3  }
0xff: {  	s5 =	sadd.s32 s5, s0  }
0x100: {  	s17 =	sadd.s32 $0x420, s1;
	s5 =	sadd.s32 $0x280000, s5  }
0x101: {  	[hbm:s17@s4], [sflag:s2] =	dma.strided [hbm:s5@s4], $0x80, s3, $0x10   }
0x102: {  	s5 =	sld [smem:$0x1B];
	_ =	sdelay $0x3  }
0x103: {  	s5 =	sadd.s32 $0xFFFFFFFF, s5  }
0x104: {  	s18 =	sshll.u32 s5, $0xA;
	s5 =	sshll.u32 s5, $0x7  }
0x105: {  	s6 =	sand.u32 $0xFFFFE000, s18;
	s5 =	sand.u32 $0x380, s5  }
0x106: {  	s5 =	sor.u32 s5, s6  }
0x107: {  	s5 =	sshrl.u32 s5, $0x3  }
0x108: {  	s5 =	sadd.s32 s5, s0  }
0x109: {  	s19 =	sadd.s32 $0x430, s1;
	s5 =	sadd.s32 $0x2C0000, s5  }
0x10a: {  	[hbm:s19@s4], [sflag:s2] =	dma.strided [hbm:s5@s4], $0x80, s3, $0x10   }
0x10b: {  	s5 =	sld [smem:$0x1C];
	_ =	sdelay $0x3  }
0x10c: {  	s5 =	sadd.s32 $0xFFFFFFFF, s5  }
0x10d: {  	s20 =	sshll.u32 s5, $0xA;
	s5 =	sshll.u32 s5, $0x7  }
0x10e: {  	s6 =	sand.u32 $0xFFFFE000, s20;
	s5 =	sand.u32 $0x380, s5  }
0x10f: {  	s5 =	sor.u32 s5, s6  }
0x110: {  	s5 =	sshrl.u32 s5, $0x3  }
0x111: {  	s5 =	sadd.s32 s5, s0  }
0x112: {  	s21 =	sadd.s32 $0x440, s1;
	s5 =	sadd.s32 $0x300000, s5  }
0x113: {  	[hbm:s21@s4], [sflag:s2] =	dma.strided [hbm:s5@s4], $0x80, s3, $0x10   }
0x114: {  	s5 =	sld [smem:$0x1D];
	_ =	sdelay $0x3  }
0x115: {  	s5 =	sadd.s32 $0xFFFFFFFF, s5  }
0x116: {  	s22 =	sshll.u32 s5, $0xA;
	s5 =	sshll.u32 s5, $0x7  }
0x117: {  	s6 =	sand.u32 $0xFFFFE000, s22;
	s5 =	sand.u32 $0x380, s5  }
0x118: {  	s5 =	sor.u32 s5, s6  }
0x119: {  	s5 =	sshrl.u32 s5, $0x3  }
0x11a: {  	s5 =	sadd.s32 s5, s0  }
0x11b: {  	s23 =	sadd.s32 $0x450, s1;
	s5 =	sadd.s32 $0x340000, s5  }
0x11c: {  	[hbm:s23@s4], [sflag:s2] =	dma.strided [hbm:s5@s4], $0x80, s3, $0x10   }
0x11d: {  	s5 =	sld [smem:$0x1E];
	_ =	sdelay $0x3  }
0x11e: {  	s5 =	sadd.s32 $0xFFFFFFFF, s5  }
0x11f: {  	s24 =	sshll.u32 s5, $0xA;
	s5 =	sshll.u32 s5, $0x7  }
0x120: {  	s6 =	sand.u32 $0xFFFFE000, s24;
	s5 =	sand.u32 $0x380, s5  }
0x121: {  	s5 =	sor.u32 s5, s6  }
0x122: {  	s5 =	sshrl.u32 s5, $0x3  }
0x123: {  	s5 =	sadd.s32 s5, s0  }
0x124: {  	s25 =	sadd.s32 $0x460, s1;
	s5 =	sadd.s32 $0x380000, s5  }
0x125: {  	[hbm:s25@s4], [sflag:s2] =	dma.strided [hbm:s5@s4], $0x80, s3, $0x10   }
0x126: {  	s5 =	sld [smem:$0x1F];
	_ =	sdelay $0x3  }
0x127: {  	s5 =	sadd.s32 $0xFFFFFFFF, s5  }
0x128: {  	s26 =	sshll.u32 s5, $0xA;
	s5 =	sshll.u32 s5, $0x7  }
0x129: {  	s6 =	sand.u32 $0xFFFFE000, s26;
	s5 =	sand.u32 $0x380, s5  }
0x12a: {  	s5 =	sor.u32 s5, s6  }
0x12b: {  	s5 =	sshrl.u32 s5, $0x3  }
0x12c: {  	s0 =	sadd.s32 s5, s0  }
0x12d: {  	s1 =	sadd.s32 $0x470, s1;
	s0 =	sadd.s32 $0x3C0000, s0  }
0x12e: {  	[hbm:s1@s4], [sflag:s2] =	dma.strided [hbm:s0@s4], $0x80, s3, $0x10   }
0x12f: {  	_ =	swait.ge [sflag:s2], $0x800  }
0x130: {  	[sflag:s2] =	ssyncset.done $0x0  }
0x131: {  	[sflag:s2] =	ssyncadd.s32 $0xFFFFF800  }
0x132: {  	_ =	strace $0x90000046  }
0x133: {  	_ =	sfence  }
0x134: {  	s28 =	sld [smem:$0x0];
	_ =	sdelay $0x1  }
0x135: {  	s29 =	srdreg.scid  }
0x136: {  	s30 =	sshll.u32 s29, $0xD;
	s31 =	sshrl.u32 s29, $0x2  }
0x137: {  	s1 =	sand.u32 $0x1, s29;
	s2 =	sand.u32 $0x4000, s30;
	s0 =	sadd.s32 s31, s28  }
0x138: {  	s1 =	sor.u32 s2, s1;
	s0 =	sshll.u32 s0, $0x11  }
0x139: {  	s0 =	sor.u32 s0, s1  }
0x13a: {  	s0 =	sadd.s32 $0x8F2B, s0;
	(pc) =	sbr.abs _section_cstart, $3  }
0x13b: {  	[sflag:s0] =	ssyncadd.remote.s32 $0x1  }
0x13c: {  	_ =	strace $0x9FFFFFFF  }
0x13d: {  	(tm) =	ssettm $0x7FFFFFFF  }

</sc_bundles>
